<compile_context>
chip_gen: v7x
topology: tpu7x:2x2x1
jax: 0.10.2.dev20260603
libtpu: 0.0.44.dev20260713+nightly
codegen_flags: <defaults>
</compile_context>

<pallas_src>
import functools
import math

import jax
import jax.numpy as jnp
import numpy as np
from jax import lax
from jax.experimental import pallas as pl
from jax.experimental.pallas import tpu as pltpu
from jax.experimental.pallas import tpu_sc as plsc

_BATCH = 4096
_SEQ = 200
_D = 64
_B = _BATCH * _SEQ

_NC = 2
_NS = 16
_NW = _NC * _NS
_PLANES = _SEQ * _D
_PPW = _PLANES // _NW
_CP = 8
_NCHUNK = _PPW // _CP
_NBUF = 3
_TCOLS = 128


def _idx_body(ts_ref, idx_ref):
    hours = ts_ref[...] // 3600
    cur = hours[_SEQ - 1:_SEQ, :]
    n = ((cur - hours) + 1).astype(jnp.float32)
    d = jnp.log(n) / np.float32(math.log(2))
    idx_ref[...] = jnp.ceil(d).astype(jnp.int32)


def _compute_idx(ts_t):
    blk = 512
    return pl.pallas_call(
        _idx_body,
        out_shape=jax.ShapeDtypeStruct((_SEQ, _BATCH), jnp.int32),
        grid=(_BATCH // blk,),
        in_specs=[pl.BlockSpec((_SEQ, blk), lambda i: (0, i))],
        out_specs=pl.BlockSpec((_SEQ, blk), lambda i: (0, i)),
    )(ts_t)


def _gather_body(idx_hbm, table_hbm, out_hbm, idx_v, table_v, rows_v, ssem):
    wid = lax.axis_index("s") * _NC + lax.axis_index("c")
    p0w = wid * _PPW
    pltpu.sync_copy(table_hbm.at[:, pl.ds(0, _TCOLS)], table_v)

    def chunk(c, carry):
        buf = lax.rem(c, _NBUF)
        p0 = p0w + c * _CP
        s = lax.shift_right_logical(p0, 6)
        d0 = pl.multiple_of(lax.rem(p0, 64), _CP)

        @pl.when(jnp.logical_or(c == 0, d0 == 0))
        def _():
            pltpu.sync_copy(idx_hbm.at[s], idx_v)

        trows = [table_v.at[d0 + p] for p in range(_CP)]

        def block(blk, c2):
            vi = idx_v[0, pl.ds(blk * 16, 16)]
            vals = [plsc.load_gather(trows[p], [vi]) for p in range(_CP)]
            for p in range(_CP):
                rows_v[buf, p, pl.ds(blk * 16, 16)] = vals[p]
            return c2

        lax.fori_loop(0, _BATCH // 16, block, 0)

        @pl.when(c >= _NBUF)
        def _():
            pltpu.make_async_copy(
                rows_v.at[buf], out_hbm.at[0, pl.ds(0, _CP)], ssem
            ).wait()

        pltpu.async_copy(
            rows_v.at[buf], out_hbm.at[s, pl.ds(d0, _CP)], ssem
        )
        return carry

    lax.fori_loop(0, _NCHUNK, chunk, 0)
    for _ in range(_NBUF):
        pltpu.make_async_copy(
            rows_v.at[0], out_hbm.at[0, pl.ds(0, _CP)], ssem
        ).wait()


def _gather_sc(idx_t3, table_t):
    mesh = plsc.VectorSubcoreMesh(
        core_axis_name="c", subcore_axis_name="s",
        num_cores=_NC, num_subcores=_NS,
    )
    f = functools.partial(
        pl.kernel,
        out_type=jax.ShapeDtypeStruct((_SEQ, _D, _BATCH), jnp.float32),
        mesh=mesh,
        scratch_types=[
            pltpu.VMEM((1, _BATCH), jnp.int32),
            pltpu.VMEM((_D, _TCOLS), jnp.float32),
            pltpu.VMEM((_NBUF, _CP, _BATCH), jnp.float32),
            pltpu.SemaphoreType.DMA,
        ],
        compiler_params=pltpu.CompilerParams(
            use_tc_tiling_on_sc=True, needs_layout_passes=False
        ),
    )(_gather_body)
    return f(idx_t3, table_t)


def kernel(timestamps, te_weight):
    ts_t = timestamps.astype(jnp.int32).T
    idx_t = _compute_idx(ts_t)
    out_t = _gather_sc(idx_t.reshape(_SEQ, 1, _BATCH), te_weight.T)
    return out_t.transpose(2, 0, 1)

# --- scband reference (transcript-rebuilt; emitter-appended) ---
"""Pipeline reference for scband-time-embedding-17884243821101 (READ-ONLY COPY).

The authoritative reference and input builder live on the scoring server;
editing this copy changes nothing except your own understanding.
"""

import jax, jax.numpy as jnp
import numpy as np
import math

MAX_LEN = 512
D_MODEL = 64
LOG_BASE = 2
BATCH = 4096
SEQ_LEN = 200


def setup_inputs(seed: int = 0) -> dict:
    key = jax.random.key(seed)
    k1, k2 = jax.random.split(key)
    # sorted per row so the last timestamp is the max -> non-negative deltas
    timestamps = jnp.sort(
        jax.random.randint(k1, (BATCH, SEQ_LEN), 0, 2000000000, dtype=jnp.int32),
        axis=-1,
    ).astype(jnp.int64)
    te_weight = jax.random.normal(k2, (MAX_LEN, D_MODEL), dtype=jnp.float32) * 0.02
    return {"timestamps": timestamps, "te_weight": te_weight}


def reference(timestamps, te_weight):
    # timestamps: [B, S] int; te_weight: [MAX_LEN, D_MODEL]
    ts = timestamps // 3600  # floor-div, seconds -> hours
    seq_len = ts.shape[1]
    cur_time = ts[:, -1]  # [B]
    delta_times = cur_time[:, None] - ts  # [B, S], broadcast == repeat+transpose
    deltas = jnp.log((delta_times + 1).astype(jnp.float32))
    deltas = deltas / math.log(LOG_BASE)
    idx = jnp.ceil(deltas).astype(jnp.int32)  # [B, S] in [0, MAX_LEN)
    return jnp.take(te_weight, idx, axis=0)  # [B, S, D_MODEL]

if __name__ == "__main__":
    import jax
    _d = setup_inputs()
    print(jax.jit(kernel)(*tuple(_d.values())))

</pallas_src>

<mosaic_0001>
#map = affine_map<(d0, d1) -> (0, 0, 0)>
#map1 = affine_map<(d0, d1) -> (0, 0)>
module attributes {stable_mosaic.version = 14 : i64} {
  func.func @_gather_body(%arg0: i32, %arg1: i32, %arg2: memref<200x1x4096xi32, #tpu.memory_space<hbm>>, %arg3: memref<64x512xf32, #tpu.memory_space<hbm>>, %arg4: memref<200x64x4096xf32, #tpu.memory_space<hbm>>, %arg5: memref<1x4096xi32, #tpu.memory_space<vmem>>, %arg6: memref<64x128xf32, #tpu.memory_space<vmem>>, %arg7: memref<3x8x4096xf32, #tpu.memory_space<vmem>>, %arg8: memref<!tpu.dma_semaphore, #tpu.memory_space<semaphore_mem>>) attributes {dimension_semantics = [#tpu.dimension_semantics<core_parallel>, #tpu.dimension_semantics<subcore_parallel>], iteration_bounds = array<i64: 2, 16>, scalar_prefetch = 0 : i64, scratch_operands = 4 : i64, tpu.core_type = #tpu.core_type<sc_vector_subcore>, window_params = [{transform_indices = #map}, {transform_indices = #map1}, {transform_indices = #map}]} {
    %mul3A = arith.constant 2 : i32
    %mul3A_0 = arith.muli %arg1, %mul3A : i32
    %add3A = arith.addi %mul3A_0, %arg0 : i32
    %mul3A_1 = arith.constant 400 : i32
    %mul3A_2 = arith.muli %add3A, %mul3A_1 : i32
    "tpu.region"() ({
      %run_scoped3A = tpu.sem_alloc : memref<!tpu.dma_semaphore, #tpu.memory_space<semaphore_mem>>
      %dma_start3A = arith.constant 0 : i32
      %dma_start3A_61 = arith.constant 0 : i32
      %dma_start3A_62 = tpu.memref_slice %arg3[%dma_start3A, %dma_start3A_61] : memref<64x512xf32, #tpu.memory_space<hbm>> -> memref<64x128xf32, #tpu.memory_space<hbm>>
      %dma_start3A_63 = arith.constant 0 : i32
      %dma_start3A_64 = arith.constant 0 : i32
      %dma_start3A_65 = tpu.memref_slice %arg3[%dma_start3A_63, %dma_start3A_64] : memref<64x512xf32, #tpu.memory_space<hbm>> -> memref<64x128xf32, #tpu.memory_space<hbm>>
      tpu.enqueue_dma source(%dma_start3A_65 : memref<64x128xf32, #tpu.memory_space<hbm>>) target(%arg6 : memref<64x128xf32, #tpu.memory_space<vmem>>) target_semaphore(%run_scoped3A : memref<!tpu.dma_semaphore, #tpu.memory_space<semaphore_mem>>)
      %dma_wait3A_66 = arith.constant 0 : i32
      %dma_wait3A_67 = arith.constant 0 : i32
      %dma_wait3A_68 = tpu.memref_slice %arg3[%dma_wait3A_66, %dma_wait3A_67] : memref<64x512xf32, #tpu.memory_space<hbm>> -> memref<64x128xf32, #tpu.memory_space<hbm>>
      %dma_wait3A_69 = arith.constant 0 : i32
      %dma_wait3A_70 = arith.constant 0 : i32
      %dma_wait3A_71 = tpu.memref_slice %arg3[%dma_wait3A_69, %dma_wait3A_70] : memref<64x512xf32, #tpu.memory_space<hbm>> -> memref<64x128xf32, #tpu.memory_space<hbm>>
      tpu.wait_dma2 semaphore(%run_scoped3A : memref<!tpu.dma_semaphore, #tpu.memory_space<semaphore_mem>>) src(%dma_wait3A_71 : memref<64x128xf32, #tpu.memory_space<hbm>>) dst(%arg6 : memref<64x128xf32, #tpu.memory_space<vmem>>)
      tpu.yield
    }) : () -> ()
    %scan3A = arith.constant 0 : i32
    %scan3A_3 = arith.constant 0 : i32
    %scan3A_4 = arith.constant 50 : i32
    %scan3A_5 = arith.addi %scan3A_3, %scan3A_4 : i32
    %scan3A_6 = arith.constant 1 : i32
    scf.for %scan3A_61 = %scan3A_3 to %scan3A_5 step %scan3A_6  : i32 {
      %rem3A = arith.constant 3 : i32
      %rem3A_62 = arith.remsi %scan3A_61, %rem3A : i32
      %mul3A_63 = arith.constant 8 : i32
      %mul3A_64 = arith.muli %scan3A_61, %mul3A_63 : i32
      %add3A_65 = arith.addi %mul3A_2, %mul3A_64 : i32
      %shift_right_logical3A = arith.constant 6 : i32
      %shift_right_logical3A_66 = arith.shrui %add3A_65, %shift_right_logical3A : i32
      %rem3A_67 = arith.constant 64 : i32
      %rem3A_68 = arith.remsi %add3A_65, %rem3A_67 : i32
      %multiple_of3A = tpu.assume_multiple %rem3A_68, 8 : i32
      %eq3A = arith.constant 0 : i32
      %eq3A_69 = arith.cmpi eq, %scan3A_61, %eq3A : i32
      %eq3A_70 = arith.constant 0 : i32
      %eq3A_71 = arith.cmpi eq, %multiple_of3A, %eq3A_70 : i32
      %or3A = arith.ori %eq3A_69, %eq3A_71 : i1
      %convert_element_type3A = arith.extui %or3A : i1 to i32
      %cond3A = arith.constant 0 : i32
      %cond3A_72 = arith.cmpi ne, %convert_element_type3A, %cond3A : i32
      scf.if %cond3A_72 {
        "tpu.region"() ({
          %run_scoped3A = tpu.sem_alloc : memref<!tpu.dma_semaphore, #tpu.memory_space<semaphore_mem>>
          %dma_start3A_112 = arith.constant 0 : i32
          %dma_start3A_113 = arith.constant 0 : i32
          %dma_start3A_114 = tpu.memref_slice %arg2[%shift_right_logical3A_66, %dma_start3A_112, %dma_start3A_113] : memref<200x1x4096xi32, #tpu.memory_space<hbm>> -> memref<1x1x4096xi32, #tpu.memory_space<hbm>>
          %dma_start3A_115 = tpu.memref_squeeze %dma_start3A_114 : memref<1x1x4096xi32, #tpu.memory_space<hbm>> -> memref<1x4096xi32, #tpu.memory_space<hbm>>
          %dma_start3A_116 = arith.constant 0 : i32
          %dma_start3A_117 = arith.constant 0 : i32
          %dma_start3A_118 = tpu.memref_slice %arg2[%shift_right_logical3A_66, %dma_start3A_116, %dma_start3A_117] : memref<200x1x4096xi32, #tpu.memory_space<hbm>> -> memref<1x1x4096xi32, #tpu.memory_space<hbm>>
          %dma_start3A_119 = tpu.memref_squeeze %dma_start3A_118 : memref<1x1x4096xi32, #tpu.memory_space<hbm>> -> memref<1x4096xi32, #tpu.memory_space<hbm>>
          tpu.enqueue_dma source(%dma_start3A_119 : memref<1x4096xi32, #tpu.memory_space<hbm>>) target(%arg5 : memref<1x4096xi32, #tpu.memory_space<vmem>>) target_semaphore(%run_scoped3A : memref<!tpu.dma_semaphore, #tpu.memory_space<semaphore_mem>>)
          %dma_wait3A_120 = arith.constant 0 : i32
          %dma_wait3A_121 = arith.constant 0 : i32
          %dma_wait3A_122 = tpu.memref_slice %arg2[%shift_right_logical3A_66, %dma_wait3A_120, %dma_wait3A_121] : memref<200x1x4096xi32, #tpu.memory_space<hbm>> -> memref<1x1x4096xi32, #tpu.memory_space<hbm>>
          %dma_wait3A_123 = tpu.memref_squeeze %dma_wait3A_122 : memref<1x1x4096xi32, #tpu.memory_space<hbm>> -> memref<1x4096xi32, #tpu.memory_space<hbm>>
          %dma_wait3A_124 = arith.constant 0 : i32
          %dma_wait3A_125 = arith.constant 0 : i32
          %dma_wait3A_126 = tpu.memref_slice %arg2[%shift_right_logical3A_66, %dma_wait3A_124, %dma_wait3A_125] : memref<200x1x4096xi32, #tpu.memory_space<hbm>> -> memref<1x1x4096xi32, #tpu.memory_space<hbm>>
          %dma_wait3A_127 = tpu.memref_squeeze %dma_wait3A_126 : memref<1x1x4096xi32, #tpu.memory_space<hbm>> -> memref<1x4096xi32, #tpu.memory_space<hbm>>
          tpu.wait_dma2 semaphore(%run_scoped3A : memref<!tpu.dma_semaphore, #tpu.memory_space<semaphore_mem>>) src(%dma_wait3A_127 : memref<1x4096xi32, #tpu.memory_space<hbm>>) dst(%arg5 : memref<1x4096xi32, #tpu.memory_space<vmem>>)
          tpu.yield
        }) : () -> ()
      } else {
      }
      %add3A_73 = arith.constant 0 : i32
      %add3A_74 = arith.addi %multiple_of3A, %add3A_73 : i32
      %add3A_75 = arith.constant 1 : i32
      %add3A_76 = arith.addi %multiple_of3A, %add3A_75 : i32
      %add3A_77 = arith.constant 2 : i32
      %add3A_78 = arith.addi %multiple_of3A, %add3A_77 : i32
      %add3A_79 = arith.constant 3 : i32
      %add3A_80 = arith.addi %multiple_of3A, %add3A_79 : i32
      %add3A_81 = arith.constant 4 : i32
      %add3A_82 = arith.addi %multiple_of3A, %add3A_81 : i32
      %add3A_83 = arith.constant 5 : i32
      %add3A_84 = arith.addi %multiple_of3A, %add3A_83 : i32
      %add3A_85 = arith.constant 6 : i32
      %add3A_86 = arith.addi %multiple_of3A, %add3A_85 : i32
      %add3A_87 = arith.constant 7 : i32
      %add3A_88 = arith.addi %multiple_of3A, %add3A_87 : i32
      %scan3A_89 = arith.constant 0 : i32
      %scan3A_90 = arith.constant 0 : i32
      %scan3A_91 = arith.constant 256 : i32
      %scan3A_92 = arith.addi %scan3A_90, %scan3A_91 : i32
      %scan3A_93 = arith.constant 1 : i32
      scf.for %scan3A_112 = %scan3A_90 to %scan3A_92 step %scan3A_93  : i32 {
        %mul3A_113 = arith.constant 16 : i32
        %mul3A_114 = arith.muli %scan3A_112, %mul3A_113 : i32
        %get3A = arith.constant 0 : i32
        %get3A_115 = arith.index_cast %get3A : i32 to index
        %get3A_116 = arith.index_cast %mul3A_114 : i32 to index
        %get3A_117 = tpu.vector_load %arg5[%get3A_115, %get3A_116] {strides = array<i32>} : memref<1x4096xi32, #tpu.memory_space<vmem>>, vector<16xi32>,
        %gather3A = arith.constant 0 : i32
        %gather3A_118 = tpu.memref_slice %arg6[%add3A_74, %gather3A] : memref<64x128xf32, #tpu.memory_space<vmem>> -> memref<1x128xf32, #tpu.memory_space<vmem>>
        %gather3A_119 = tpu.memref_squeeze %gather3A_118 : memref<1x128xf32, #tpu.memory_space<vmem>> -> memref<128xf32, #tpu.memory_space<vmem>>
        %gather3A_120 = tpu.vector_load_idx %gather3A_119[%get3A_117] : memref<128xf32, #tpu.memory_space<vmem>>[vector<16xi32>], vector<16xf32>,
        %gather3A_121 = arith.constant 0 : i32
        %gather3A_122 = tpu.memref_slice %arg6[%add3A_76, %gather3A_121] : memref<64x128xf32, #tpu.memory_space<vmem>> -> memref<1x128xf32, #tpu.memory_space<vmem>>
        %gather3A_123 = tpu.memref_squeeze %gather3A_122 : memref<1x128xf32, #tpu.memory_space<vmem>> -> memref<128xf32, #tpu.memory_space<vmem>>
        %gather3A_124 = tpu.vector_load_idx %gather3A_123[%get3A_117] : memref<128xf32, #tpu.memory_space<vmem>>[vector<16xi32>], vector<16xf32>,
        %gather3A_125 = arith.constant 0 : i32
        %gather3A_126 = tpu.memref_slice %arg6[%add3A_78, %gather3A_125] : memref<64x128xf32, #tpu.memory_space<vmem>> -> memref<1x128xf32, #tpu.memory_space<vmem>>
        %gather3A_127 = tpu.memref_squeeze %gather3A_126 : memref<1x128xf32, #tpu.memory_space<vmem>> -> memref<128xf32, #tpu.memory_space<vmem>>
        %gather3A_128 = tpu.vector_load_idx %gather3A_127[%get3A_117] : memref<128xf32, #tpu.memory_space<vmem>>[vector<16xi32>], vector<16xf32>,
        %gather3A_129 = arith.constant 0 : i32
        %gather3A_130 = tpu.memref_slice %arg6[%add3A_80, %gather3A_129] : memref<64x128xf32, #tpu.memory_space<vmem>> -> memref<1x128xf32, #tpu.memory_space<vmem>>
        %gather3A_131 = tpu.memref_squeeze %gather3A_130 : memref<1x128xf32, #tpu.memory_space<vmem>> -> memref<128xf32, #tpu.memory_space<vmem>>
        %gather3A_132 = tpu.vector_load_idx %gather3A_131[%get3A_117] : memref<128xf32, #tpu.memory_space<vmem>>[vector<16xi32>], vector<16xf32>,
        %gather3A_133 = arith.constant 0 : i32
        %gather3A_134 = tpu.memref_slice %arg6[%add3A_82, %gather3A_133] : memref<64x128xf32, #tpu.memory_space<vmem>> -> memref<1x128xf32, #tpu.memory_space<vmem>>
        %gather3A_135 = tpu.memref_squeeze %gather3A_134 : memref<1x128xf32, #tpu.memory_space<vmem>> -> memref<128xf32, #tpu.memory_space<vmem>>
        %gather3A_136 = tpu.vector_load_idx %gather3A_135[%get3A_117] : memref<128xf32, #tpu.memory_space<vmem>>[vector<16xi32>], vector<16xf32>,
        %gather3A_137 = arith.constant 0 : i32
        %gather3A_138 = tpu.memref_slice %arg6[%add3A_84, %gather3A_137] : memref<64x128xf32, #tpu.memory_space<vmem>> -> memref<1x128xf32, #tpu.memory_space<vmem>>
        %gather3A_139 = tpu.memref_squeeze %gather3A_138 : memref<1x128xf32, #tpu.memory_space<vmem>> -> memref<128xf32, #tpu.memory_space<vmem>>
        %gather3A_140 = tpu.vector_load_idx %gather3A_139[%get3A_117] : memref<128xf32, #tpu.memory_space<vmem>>[vector<16xi32>], vector<16xf32>,
        %gather3A_141 = arith.constant 0 : i32
        %gather3A_142 = tpu.memref_slice %arg6[%add3A_86, %gather3A_141] : memref<64x128xf32, #tpu.memory_space<vmem>> -> memref<1x128xf32, #tpu.memory_space<vmem>>
        %gather3A_143 = tpu.memref_squeeze %gather3A_142 : memref<1x128xf32, #tpu.memory_space<vmem>> -> memref<128xf32, #tpu.memory_space<vmem>>
        %gather3A_144 = tpu.vector_load_idx %gather3A_143[%get3A_117] : memref<128xf32, #tpu.memory_space<vmem>>[vector<16xi32>], vector<16xf32>,
        %gather3A_145 = arith.constant 0 : i32
        %gather3A_146 = tpu.memref_slice %arg6[%add3A_88, %gather3A_145] : memref<64x128xf32, #tpu.memory_space<vmem>> -> memref<1x128xf32, #tpu.memory_space<vmem>>
        %gather3A_147 = tpu.memref_squeeze %gather3A_146 : memref<1x128xf32, #tpu.memory_space<vmem>> -> memref<128xf32, #tpu.memory_space<vmem>>
        %gather3A_148 = tpu.vector_load_idx %gather3A_147[%get3A_117] : memref<128xf32, #tpu.memory_space<vmem>>[vector<16xi32>], vector<16xf32>,
        %mul3A_149 = arith.constant 16 : i32
        %mul3A_150 = arith.muli %scan3A_112, %mul3A_149 : i32
        %swap3A = arith.constant 0 : i32
        %swap3A_151 = arith.index_cast %rem3A_62 : i32 to index
        %swap3A_152 = arith.index_cast %swap3A : i32 to index
        %swap3A_153 = arith.index_cast %mul3A_150 : i32 to index
        %swap3A_154 = tpu.vector_load %arg7[%swap3A_151, %swap3A_152, %swap3A_153] {strides = array<i32>} : memref<3x8x4096xf32, #tpu.memory_space<vmem>>, vector<16xf32>,
        tpu.vector_store %arg7[%swap3A_151, %swap3A_152, %swap3A_153], %gather3A_120 {strides = array<i32>} : memref<3x8x4096xf32, #tpu.memory_space<vmem>>, vector<16xf32>,
        %mul3A_155 = arith.constant 16 : i32
        %mul3A_156 = arith.muli %scan3A_112, %mul3A_155 : i32
        %swap3A_157 = arith.constant 1 : i32
        %swap3A_158 = arith.index_cast %rem3A_62 : i32 to index
        %swap3A_159 = arith.index_cast %swap3A_157 : i32 to index
        %swap3A_160 = arith.index_cast %mul3A_156 : i32 to index
        %swap3A_161 = tpu.vector_load %arg7[%swap3A_158, %swap3A_159, %swap3A_160] {strides = array<i32>} : memref<3x8x4096xf32, #tpu.memory_space<vmem>>, vector<16xf32>,
        tpu.vector_store %arg7[%swap3A_158, %swap3A_159, %swap3A_160], %gather3A_124 {strides = array<i32>} : memref<3x8x4096xf32, #tpu.memory_space<vmem>>, vector<16xf32>,
        %mul3A_162 = arith.constant 16 : i32
        %mul3A_163 = arith.muli %scan3A_112, %mul3A_162 : i32
        %swap3A_164 = arith.constant 2 : i32
        %swap3A_165 = arith.index_cast %rem3A_62 : i32 to index
        %swap3A_166 = arith.index_cast %swap3A_164 : i32 to index
        %swap3A_167 = arith.index_cast %mul3A_163 : i32 to index
        %swap3A_168 = tpu.vector_load %arg7[%swap3A_165, %swap3A_166, %swap3A_167] {strides = array<i32>} : memref<3x8x4096xf32, #tpu.memory_space<vmem>>, vector<16xf32>,
        tpu.vector_store %arg7[%swap3A_165, %swap3A_166, %swap3A_167], %gather3A_128 {strides = array<i32>} : memref<3x8x4096xf32, #tpu.memory_space<vmem>>, vector<16xf32>,
        %mul3A_169 = arith.constant 16 : i32
        %mul3A_170 = arith.muli %scan3A_112, %mul3A_169 : i32
        %swap3A_171 = arith.constant 3 : i32
        %swap3A_172 = arith.index_cast %rem3A_62 : i32 to index
        %swap3A_173 = arith.index_cast %swap3A_171 : i32 to index
        %swap3A_174 = arith.index_cast %mul3A_170 : i32 to index
        %swap3A_175 = tpu.vector_load %arg7[%swap3A_172, %swap3A_173, %swap3A_174] {strides = array<i32>} : memref<3x8x4096xf32, #tpu.memory_space<vmem>>, vector<16xf32>,
        tpu.vector_store %arg7[%swap3A_172, %swap3A_173, %swap3A_174], %gather3A_132 {strides = array<i32>} : memref<3x8x4096xf32, #tpu.memory_space<vmem>>, vector<16xf32>,
        %mul3A_176 = arith.constant 16 : i32
        %mul3A_177 = arith.muli %scan3A_112, %mul3A_176 : i32
        %swap3A_178 = arith.constant 4 : i32
        %swap3A_179 = arith.index_cast %rem3A_62 : i32 to index
        %swap3A_180 = arith.index_cast %swap3A_178 : i32 to index
        %swap3A_181 = arith.index_cast %mul3A_177 : i32 to index
        %swap3A_182 = tpu.vector_load %arg7[%swap3A_179, %swap3A_180, %swap3A_181] {strides = array<i32>} : memref<3x8x4096xf32, #tpu.memory_space<vmem>>, vector<16xf32>,
        tpu.vector_store %arg7[%swap3A_179, %swap3A_180, %swap3A_181], %gather3A_136 {strides = array<i32>} : memref<3x8x4096xf32, #tpu.memory_space<vmem>>, vector<16xf32>,
        %mul3A_183 = arith.constant 16 : i32
        %mul3A_184 = arith.muli %scan3A_112, %mul3A_183 : i32
        %swap3A_185 = arith.constant 5 : i32
        %swap3A_186 = arith.index_cast %rem3A_62 : i32 to index
        %swap3A_187 = arith.index_cast %swap3A_185 : i32 to index
        %swap3A_188 = arith.index_cast %mul3A_184 : i32 to index
        %swap3A_189 = tpu.vector_load %arg7[%swap3A_186, %swap3A_187, %swap3A_188] {strides = array<i32>} : memref<3x8x4096xf32, #tpu.memory_space<vmem>>, vector<16xf32>,
        tpu.vector_store %arg7[%swap3A_186, %swap3A_187, %swap3A_188], %gather3A_140 {strides = array<i32>} : memref<3x8x4096xf32, #tpu.memory_space<vmem>>, vector<16xf32>,
        %mul3A_190 = arith.constant 16 : i32
        %mul3A_191 = arith.muli %scan3A_112, %mul3A_190 : i32
        %swap3A_192 = arith.constant 6 : i32
        %swap3A_193 = arith.index_cast %rem3A_62 : i32 to index
        %swap3A_194 = arith.index_cast %swap3A_192 : i32 to index
        %swap3A_195 = arith.index_cast %mul3A_191 : i32 to index
        %swap3A_196 = tpu.vector_load %arg7[%swap3A_193, %swap3A_194, %swap3A_195] {strides = array<i32>} : memref<3x8x4096xf32, #tpu.memory_space<vmem>>, vector<16xf32>,
        tpu.vector_store %arg7[%swap3A_193, %swap3A_194, %swap3A_195], %gather3A_144 {strides = array<i32>} : memref<3x8x4096xf32, #tpu.memory_space<vmem>>, vector<16xf32>,
        %mul3A_197 = arith.constant 16 : i32
        %mul3A_198 = arith.muli %scan3A_112, %mul3A_197 : i32
        %swap3A_199 = arith.constant 7 : i32
        %swap3A_200 = arith.index_cast %rem3A_62 : i32 to index
        %swap3A_201 = arith.index_cast %swap3A_199 : i32 to index
        %swap3A_202 = arith.index_cast %mul3A_198 : i32 to index
        %swap3A_203 = tpu.vector_load %arg7[%swap3A_200, %swap3A_201, %swap3A_202] {strides = array<i32>} : memref<3x8x4096xf32, #tpu.memory_space<vmem>>, vector<16xf32>,
        tpu.vector_store %arg7[%swap3A_200, %swap3A_201, %swap3A_202], %gather3A_148 {strides = array<i32>} : memref<3x8x4096xf32, #tpu.memory_space<vmem>>, vector<16xf32>,
      }
      %scan3A_94 = arith.constant 256 : i32
      %ge3A = arith.constant 3 : i32
      %ge3A_95 = arith.cmpi sge, %scan3A_61, %ge3A : i32
      %convert_element_type3A_96 = arith.extui %ge3A_95 : i1 to i32
      %cond3A_97 = arith.constant 0 : i32
      %cond3A_98 = arith.cmpi ne, %convert_element_type3A_96, %cond3A_97 : i32
      scf.if %cond3A_98 {
        %dma_wait3A_112 = arith.constant 0 : i32
        %dma_wait3A_113 = arith.constant 0 : i32
        %dma_wait3A_114 = arith.constant 0 : i32
        %dma_wait3A_115 = tpu.memref_slice %arg7[%rem3A_62, %dma_wait3A_113, %dma_wait3A_114] : memref<3x8x4096xf32, #tpu.memory_space<vmem>> -> memref<1x8x4096xf32, #tpu.memory_space<vmem>>
        %dma_wait3A_116 = tpu.memref_squeeze %dma_wait3A_115 : memref<1x8x4096xf32, #tpu.memory_space<vmem>> -> memref<8x4096xf32, #tpu.memory_space<vmem>>
        %dma_wait3A_117 = arith.constant 0 : i32
        %dma_wait3A_118 = arith.constant 0 : i32
        %dma_wait3A_119 = tpu.memref_slice %arg4[%dma_wait3A_112, %dma_wait3A_117, %dma_wait3A_118] : memref<200x64x4096xf32, #tpu.memory_space<hbm>> -> memref<1x8x4096xf32, #tpu.memory_space<hbm>>
        %dma_wait3A_120 = tpu.memref_squeeze %dma_wait3A_119 : memref<1x8x4096xf32, #tpu.memory_space<hbm>> -> memref<8x4096xf32, #tpu.memory_space<hbm>>
        %dma_wait3A_121 = arith.constant 0 : i32
        %dma_wait3A_122 = arith.constant 0 : i32
        %dma_wait3A_123 = tpu.memref_slice %arg4[%dma_wait3A_112, %dma_wait3A_121, %dma_wait3A_122] : memref<200x64x4096xf32, #tpu.memory_space<hbm>> -> memref<1x8x4096xf32, #tpu.memory_space<hbm>>
        %dma_wait3A_124 = tpu.memref_squeeze %dma_wait3A_123 : memref<1x8x4096xf32, #tpu.memory_space<hbm>> -> memref<8x4096xf32, #tpu.memory_space<hbm>>
        %dma_wait3A_125 = arith.constant 0 : i32
        %dma_wait3A_126 = arith.constant 0 : i32
        %dma_wait3A_127 = tpu.memref_slice %arg7[%rem3A_62, %dma_wait3A_125, %dma_wait3A_126] : memref<3x8x4096xf32, #tpu.memory_space<vmem>> -> memref<1x8x4096xf32, #tpu.memory_space<vmem>>
        %dma_wait3A_128 = tpu.memref_squeeze %dma_wait3A_127 : memref<1x8x4096xf32, #tpu.memory_space<vmem>> -> memref<8x4096xf32, #tpu.memory_space<vmem>>
        tpu.wait_dma2 semaphore(%arg8 : memref<!tpu.dma_semaphore, #tpu.memory_space<semaphore_mem>>) src(%dma_wait3A_128 : memref<8x4096xf32, #tpu.memory_space<vmem>>) dst(%dma_wait3A_124 : memref<8x4096xf32, #tpu.memory_space<hbm>>)
      } else {
      }
      %dma_start3A = arith.constant 0 : i32
      %dma_start3A_99 = arith.constant 0 : i32
      %dma_start3A_100 = tpu.memref_slice %arg7[%rem3A_62, %dma_start3A, %dma_start3A_99] : memref<3x8x4096xf32, #tpu.memory_space<vmem>> -> memref<1x8x4096xf32, #tpu.memory_space<vmem>>
      %dma_start3A_101 = tpu.memref_squeeze %dma_start3A_100 : memref<1x8x4096xf32, #tpu.memory_space<vmem>> -> memref<8x4096xf32, #tpu.memory_space<vmem>>
      %dma_start3A_102 = arith.constant 0 : i32
      %dma_start3A_103 = tpu.memref_slice %arg4[%shift_right_logical3A_66, %multiple_of3A, %dma_start3A_102] : memref<200x64x4096xf32, #tpu.memory_space<hbm>> -> memref<1x8x4096xf32, #tpu.memory_space<hbm>>
      %dma_start3A_104 = tpu.memref_squeeze %dma_start3A_103 : memref<1x8x4096xf32, #tpu.memory_space<hbm>> -> memref<8x4096xf32, #tpu.memory_space<hbm>>
      %dma_start3A_105 = arith.constant 0 : i32
      %dma_start3A_106 = tpu.memref_slice %arg4[%shift_right_logical3A_66, %multiple_of3A, %dma_start3A_105] : memref<200x64x4096xf32, #tpu.memory_space<hbm>> -> memref<1x8x4096xf32, #tpu.memory_space<hbm>>
      %dma_start3A_107 = tpu.memref_squeeze %dma_start3A_106 : memref<1x8x4096xf32, #tpu.memory_space<hbm>> -> memref<8x4096xf32, #tpu.memory_space<hbm>>
      %dma_start3A_108 = arith.constant 0 : i32
      %dma_start3A_109 = arith.constant 0 : i32
      %dma_start3A_110 = tpu.memref_slice %arg7[%rem3A_62, %dma_start3A_108, %dma_start3A_109] : memref<3x8x4096xf32, #tpu.memory_space<vmem>> -> memref<1x8x4096xf32, #tpu.memory_space<vmem>>
      %dma_start3A_111 = tpu.memref_squeeze %dma_start3A_110 : memref<1x8x4096xf32, #tpu.memory_space<vmem>> -> memref<8x4096xf32, #tpu.memory_space<vmem>>
      tpu.enqueue_dma source(%dma_start3A_111 : memref<8x4096xf32, #tpu.memory_space<vmem>>) target(%dma_start3A_107 : memref<8x4096xf32, #tpu.memory_space<hbm>>) target_semaphore(%arg8 : memref<!tpu.dma_semaphore, #tpu.memory_space<semaphore_mem>>)
    }
    %scan3A_7 = arith.constant 50 : i32
    %dma_wait3A = arith.constant 0 : i32
    %dma_wait3A_8 = arith.constant 0 : i32
    %dma_wait3A_9 = arith.constant 0 : i32
    %dma_wait3A_10 = arith.constant 0 : i32
    %dma_wait3A_11 = tpu.memref_slice %arg7[%dma_wait3A, %dma_wait3A_9, %dma_wait3A_10] : memref<3x8x4096xf32, #tpu.memory_space<vmem>> -> memref<1x8x4096xf32, #tpu.memory_space<vmem>>
    %dma_wait3A_12 = tpu.memref_squeeze %dma_wait3A_11 : memref<1x8x4096xf32, #tpu.memory_space<vmem>> -> memref<8x4096xf32, #tpu.memory_space<vmem>>
    %dma_wait3A_13 = arith.constant 0 : i32
    %dma_wait3A_14 = arith.constant 0 : i32
    %dma_wait3A_15 = tpu.memref_slice %arg4[%dma_wait3A_8, %dma_wait3A_13, %dma_wait3A_14] : memref<200x64x4096xf32, #tpu.memory_space<hbm>> -> memref<1x8x4096xf32, #tpu.memory_space<hbm>>
    %dma_wait3A_16 = tpu.memref_squeeze %dma_wait3A_15 : memref<1x8x4096xf32, #tpu.memory_space<hbm>> -> memref<8x4096xf32, #tpu.memory_space<hbm>>
    %dma_wait3A_17 = arith.constant 0 : i32
    %dma_wait3A_18 = arith.constant 0 : i32
    %dma_wait3A_19 = tpu.memref_slice %arg4[%dma_wait3A_8, %dma_wait3A_17, %dma_wait3A_18] : memref<200x64x4096xf32, #tpu.memory_space<hbm>> -> memref<1x8x4096xf32, #tpu.memory_space<hbm>>
    %dma_wait3A_20 = tpu.memref_squeeze %dma_wait3A_19 : memref<1x8x4096xf32, #tpu.memory_space<hbm>> -> memref<8x4096xf32, #tpu.memory_space<hbm>>
    %dma_wait3A_21 = arith.constant 0 : i32
    %dma_wait3A_22 = arith.constant 0 : i32
    %dma_wait3A_23 = tpu.memref_slice %arg7[%dma_wait3A, %dma_wait3A_21, %dma_wait3A_22] : memref<3x8x4096xf32, #tpu.memory_space<vmem>> -> memref<1x8x4096xf32, #tpu.memory_space<vmem>>
    %dma_wait3A_24 = tpu.memref_squeeze %dma_wait3A_23 : memref<1x8x4096xf32, #tpu.memory_space<vmem>> -> memref<8x4096xf32, #tpu.memory_space<vmem>>
    tpu.wait_dma2 semaphore(%arg8 : memref<!tpu.dma_semaphore, #tpu.memory_space<semaphore_mem>>) src(%dma_wait3A_24 : memref<8x4096xf32, #tpu.memory_space<vmem>>) dst(%dma_wait3A_20 : memref<8x4096xf32, #tpu.memory_space<hbm>>)
    %dma_wait3A_25 = arith.constant 0 : i32
    %dma_wait3A_26 = arith.constant 0 : i32
    %dma_wait3A_27 = arith.constant 0 : i32
    %dma_wait3A_28 = arith.constant 0 : i32
    %dma_wait3A_29 = tpu.memref_slice %arg7[%dma_wait3A_25, %dma_wait3A_27, %dma_wait3A_28] : memref<3x8x4096xf32, #tpu.memory_space<vmem>> -> memref<1x8x4096xf32, #tpu.memory_space<vmem>>
    %dma_wait3A_30 = tpu.memref_squeeze %dma_wait3A_29 : memref<1x8x4096xf32, #tpu.memory_space<vmem>> -> memref<8x4096xf32, #tpu.memory_space<vmem>>
    %dma_wait3A_31 = arith.constant 0 : i32
    %dma_wait3A_32 = arith.constant 0 : i32
    %dma_wait3A_33 = tpu.memref_slice %arg4[%dma_wait3A_26, %dma_wait3A_31, %dma_wait3A_32] : memref<200x64x4096xf32, #tpu.memory_space<hbm>> -> memref<1x8x4096xf32, #tpu.memory_space<hbm>>
    %dma_wait3A_34 = tpu.memref_squeeze %dma_wait3A_33 : memref<1x8x4096xf32, #tpu.memory_space<hbm>> -> memref<8x4096xf32, #tpu.memory_space<hbm>>
    %dma_wait3A_35 = arith.constant 0 : i32
    %dma_wait3A_36 = arith.constant 0 : i32
    %dma_wait3A_37 = tpu.memref_slice %arg4[%dma_wait3A_26, %dma_wait3A_35, %dma_wait3A_36] : memref<200x64x4096xf32, #tpu.memory_space<hbm>> -> memref<1x8x4096xf32, #tpu.memory_space<hbm>>
    %dma_wait3A_38 = tpu.memref_squeeze %dma_wait3A_37 : memref<1x8x4096xf32, #tpu.memory_space<hbm>> -> memref<8x4096xf32, #tpu.memory_space<hbm>>
    %dma_wait3A_39 = arith.constant 0 : i32
    %dma_wait3A_40 = arith.constant 0 : i32
    %dma_wait3A_41 = tpu.memref_slice %arg7[%dma_wait3A_25, %dma_wait3A_39, %dma_wait3A_40] : memref<3x8x4096xf32, #tpu.memory_space<vmem>> -> memref<1x8x4096xf32, #tpu.memory_space<vmem>>
    %dma_wait3A_42 = tpu.memref_squeeze %dma_wait3A_41 : memref<1x8x4096xf32, #tpu.memory_space<vmem>> -> memref<8x4096xf32, #tpu.memory_space<vmem>>
    tpu.wait_dma2 semaphore(%arg8 : memref<!tpu.dma_semaphore, #tpu.memory_space<semaphore_mem>>) src(%dma_wait3A_42 : memref<8x4096xf32, #tpu.memory_space<vmem>>) dst(%dma_wait3A_38 : memref<8x4096xf32, #tpu.memory_space<hbm>>)
    %dma_wait3A_43 = arith.constant 0 : i32
    %dma_wait3A_44 = arith.constant 0 : i32
    %dma_wait3A_45 = arith.constant 0 : i32
    %dma_wait3A_46 = arith.constant 0 : i32
    %dma_wait3A_47 = tpu.memref_slice %arg7[%dma_wait3A_43, %dma_wait3A_45, %dma_wait3A_46] : memref<3x8x4096xf32, #tpu.memory_space<vmem>> -> memref<1x8x4096xf32, #tpu.memory_space<vmem>>
    %dma_wait3A_48 = tpu.memref_squeeze %dma_wait3A_47 : memref<1x8x4096xf32, #tpu.memory_space<vmem>> -> memref<8x4096xf32, #tpu.memory_space<vmem>>
    %dma_wait3A_49 = arith.constant 0 : i32
    %dma_wait3A_50 = arith.constant 0 : i32
    %dma_wait3A_51 = tpu.memref_slice %arg4[%dma_wait3A_44, %dma_wait3A_49, %dma_wait3A_50] : memref<200x64x4096xf32, #tpu.memory_space<hbm>> -> memref<1x8x4096xf32, #tpu.memory_space<hbm>>
    %dma_wait3A_52 = tpu.memref_squeeze %dma_wait3A_51 : memref<1x8x4096xf32, #tpu.memory_space<hbm>> -> memref<8x4096xf32, #tpu.memory_space<hbm>>
    %dma_wait3A_53 = arith.constant 0 : i32
    %dma_wait3A_54 = arith.constant 0 : i32
    %dma_wait3A_55 = tpu.memref_slice %arg4[%dma_wait3A_44, %dma_wait3A_53, %dma_wait3A_54] : memref<200x64x4096xf32, #tpu.memory_space<hbm>> -> memref<1x8x4096xf32, #tpu.memory_space<hbm>>
    %dma_wait3A_56 = tpu.memref_squeeze %dma_wait3A_55 : memref<1x8x4096xf32, #tpu.memory_space<hbm>> -> memref<8x4096xf32, #tpu.memory_space<hbm>>
    %dma_wait3A_57 = arith.constant 0 : i32
    %dma_wait3A_58 = arith.constant 0 : i32
    %dma_wait3A_59 = tpu.memref_slice %arg7[%dma_wait3A_43, %dma_wait3A_57, %dma_wait3A_58] : memref<3x8x4096xf32, #tpu.memory_space<vmem>> -> memref<1x8x4096xf32, #tpu.memory_space<vmem>>
    %dma_wait3A_60 = tpu.memref_squeeze %dma_wait3A_59 : memref<1x8x4096xf32, #tpu.memory_space<vmem>> -> memref<8x4096xf32, #tpu.memory_space<vmem>>
    tpu.wait_dma2 semaphore(%arg8 : memref<!tpu.dma_semaphore, #tpu.memory_space<semaphore_mem>>) src(%dma_wait3A_60 : memref<8x4096xf32, #tpu.memory_space<vmem>>) dst(%dma_wait3A_56 : memref<8x4096xf32, #tpu.memory_space<hbm>>)
    return
  }
}

module attributes {stable_mosaic.version = 14 : i64} {
  func.func @_idx_body(%arg0: i32, %arg1: memref<200x512xi32, #tpu.memory_space<vmem>>, %arg2: memref<200x512xi32, #tpu.memory_space<vmem>>) attributes {dimension_semantics = [#tpu.dimension_semantics<arbitrary>], iteration_bounds = array<i64: 8>, scalar_prefetch = 0 : i64, scratch_operands = 0 : i64, tpu.core_type = #tpu.core_type<tc>, window_params = [{transform_indices = @transform_0, window_bounds = array<i64: 200, 512>}, {transform_indices = @transform_1, window_bounds = array<i64: 200, 512>}]} {
    %get3A = arith.constant 0 : index
    %get3A_0 = arith.constant 0 : index
    %get3A_1 = vector.load %arg1[%get3A, %get3A_0] : memref<200x512xi32, #tpu.memory_space<vmem>>, vector<200x512xi32>
    %jit3A = arith.constant 3600 : i32
    %div3A = vector.broadcast %jit3A : i32 to vector<200x512xi32>
    %div3A_2 = arith.divsi %get3A_1, %div3A : vector<200x512xi32>
    %sign3A = arith.constant 0 : i32
    %sign3A_3 = vector.broadcast %sign3A : i32 to vector<200x512xi32>
    %sign3A_4 = arith.cmpi sgt, %get3A_1, %sign3A_3 : vector<200x512xi32>
    %sign3A_5 = arith.extui %sign3A_4 : vector<200x512xi1> to vector<200x512xi32>
    %sign3A_6 = arith.constant 0 : i32
    %sign3A_7 = vector.broadcast %sign3A_6 : i32 to vector<200x512xi32>
    %sign3A_8 = arith.cmpi slt, %get3A_1, %sign3A_7 : vector<200x512xi32>
    %sign3A_9 = arith.extui %sign3A_8 : vector<200x512xi1> to vector<200x512xi32>
    %sign3A_10 = arith.subi %sign3A_5, %sign3A_9 : vector<200x512xi32>
    %sign3A_11 = arith.constant 0 : i32
    %sign3A_12 = arith.cmpi sgt, %jit3A, %sign3A_11 : i32
    %sign3A_13 = arith.extui %sign3A_12 : i1 to i32
    %sign3A_14 = arith.constant 0 : i32
    %sign3A_15 = arith.cmpi slt, %jit3A, %sign3A_14 : i32
    %sign3A_16 = arith.extui %sign3A_15 : i1 to i32
    %sign3A_17 = arith.subi %sign3A_13, %sign3A_16 : i32
    %ne3A = vector.broadcast %sign3A_17 : i32 to vector<200x512xi32>
    %ne3A_18 = arith.cmpi ne, %sign3A_10, %ne3A : vector<200x512xi32>
    %rem3A = vector.broadcast %jit3A : i32 to vector<200x512xi32>
    %rem3A_19 = arith.remsi %get3A_1, %rem3A : vector<200x512xi32>
    %ne3A_20 = arith.constant 0 : i32
    %ne3A_21 = vector.broadcast %ne3A_20 : i32 to vector<200x512xi32>
    %ne3A_22 = arith.cmpi ne, %rem3A_19, %ne3A_21 : vector<200x512xi32>
    %and3A = arith.andi %ne3A_18, %ne3A_22 : vector<200x512xi1>
    %sub3A = arith.constant 1 : i32
    %sub3A_23 = vector.broadcast %sub3A : i32 to vector<200x512xi32>
    %sub3A_24 = arith.subi %div3A_2, %sub3A_23 : vector<200x512xi32>
    %select_n3A = arith.select %and3A, %sub3A_24, %div3A_2 : vector<200x512xi1>, vector<200x512xi32>
    %slice3A = vector.extract_strided_slice %select_n3A {offsets = [199, 0], sizes = [1, 512], strides = [1, 1]} : vector<200x512xi32> to vector<1x512xi32>
    %sub3A_25 = vector.broadcast %slice3A : vector<1x512xi32> to vector<200x512xi32>
    %sub3A_26 = arith.subi %sub3A_25, %select_n3A : vector<200x512xi32>
    %add3A = arith.constant 1 : i32
    %add3A_27 = vector.broadcast %add3A : i32 to vector<200x512xi32>
    %add3A_28 = arith.addi %sub3A_26, %add3A_27 : vector<200x512xi32>
    %convert_element_type3A = arith.sitofp %add3A_28 : vector<200x512xi32> to vector<200x512xf32>
    %log3A = math.log %convert_element_type3A : vector<200x512xf32>
    %div3A_29 = arith.constant 0.693147182 : f32
    %div3A_30 = vector.broadcast %div3A_29 : f32 to vector<200x512xf32>
    %div3A_31 = arith.divf %log3A, %div3A_30 : vector<200x512xf32>
    %ceil3A = math.ceil %div3A_31 : vector<200x512xf32>
    %convert_element_type3A_32 = arith.fptosi %ceil3A : vector<200x512xf32> to vector<200x512xi32>
    %swap3A = arith.constant 0 : index
    %swap3A_33 = arith.constant 0 : index
    %swap3A_34 = vector.load %arg2[%swap3A, %swap3A_33] : memref<200x512xi32, #tpu.memory_space<vmem>>, vector<200x512xi32>
    tpu.vector_store %arg2[%swap3A, %swap3A_33], %convert_element_type3A_32 {strides = array<i32>} : memref<200x512xi32, #tpu.memory_space<vmem>>, vector<200x512xi32>,
    return
  }
  func.func @transform_0(%arg0: i32) -> (i32, i32) {
    %c0_i32 = arith.constant 0 : i32
    %c0_i32_0 = arith.constant 0 : i32
    return %c0_i32, %arg0 : i32, i32
  }
  func.func @transform_1(%arg0: i32) -> (i32, i32) {
    %c0_i32 = arith.constant 0 : i32
    %c0_i32_0 = arith.constant 0 : i32
    return %c0_i32, %arg0 : i32, i32
  }
}

</mosaic_0001>

<sc_bundles>
// kernel: kernel.4.cloned.1.call-start
scs
__scs_entry_jumppad:
0x0: {  	(pc) =	sbr.rel $0x88, $3  }
0x1: {  	(tag) =	ssettag $0x0;
	lr =	simm.s32 $0x1  }
0x2: {  	[smem:$0x3F9F] =	sst lr;
	_ =	strace $0xD0000000  }
0x3: {  	_ = 	snop  }
0x4: {  	_ = 	snop  }
0x5: {  	_ = 	snop  }
0x6: {  	_ = 	snop  }
0x7: {  	_ = 	snop  }
__scs_overlays_trampoline_lowered:
0x8: {  	[smem:$0x3FAE] =	sst s0  }
0x9: {  	[smem:$0x3FAF] =	sst s1  }
0xa: {  	[smem:$0x3FB0] =	sst s2  }
0xb: {  	[smem:$0x3FB1] =	sst s3  }
0xc: {  	[smem:$0x3FB2] =	sst s4  }
0xd: {  	[smem:$0x3FB3] =	sst s5  }
0xe: {  	[smem:$0x3FB4] =	sst s6  }
0xf: {  	[smem:$0x3FB5] =	sst s7  }
0x10: {  	[smem:$0x3FB6] =	sst s8  }
0x11: {  	[smem:$0x3FB7] =	sst s9;
	s0 =	simm.s32 @!p0 $0x0  }
0x12: {  	s1 =	sld [smem:$0x3F9D];
	s0 =	simm.s32 @p0 $0x1  }
0x13: {  	[smem:$0x3FB8] =	sst s0;
	s0 =	simm.s32 @!p1 $0x0  }
0x14: {  	s2 =	sld [smem:$0x3F9C];
	s0 =	simm.s32 @p1 $0x1  }
0x15: {  	[smem:$0x3FB9] =	sst s0;
	s0 =	simm.s32 @!p2 $0x0  }
0x16: {  	s3 =	sld [smem:$0x3FDB];
	s0 =	simm.s32 @p2 $0x1  }
0x17: {  	s4 =	simm.s32 $0x1BF5;
	[smem:$0x3FBB] =	sst s0  }
0x18: {  	s0 =	sld [smem:$0x3F9E];
	_ =	swait.ge [sflag:s4], $0x0  }
0x19: {  	s7 =	sld [smem:$0x3F9F]  }
0x1a: {  	s8 =	sadd.s32 $0xFFFFE003, lr  }
0x1b: {  	s9 =	sadd.s32 $0xFFFFFEF7, lr;
	s5 =	simm.s32 $0xFFFFFFFF;
	p2 =	slt.u32 s8, $0xFFFFF086  }
0x1c: {  	p1 =	slt.u32 s9, $0xF7A;
	s5 =	simm.s32 @!p2 $0x0  }
0x1d: {  	s5 =	simm.s32 @p1 $0x1;
	p0 =	seq.s32 s7, s2  }
0x1e: {  	s7 =	smul.u32 @!p0 $0xF7A, s2;
	p2 =	seq.s32 @!p0 s5, $0x0  }
0x1f: {  	s9 =	smul.u32 $0xF7A, s1;
	s8 =	simm.s32 @!p0 $0x1BF5;
	p2 =	por !p2, p0  }
0x20: {  	[sflag:s8] =	ssyncset.s32 @!p0 $0xFFFFF086;
	s6 =	sadd.s32 @!p0 s3, s7;
	s7 =	simm.s32 @!p0 $0x108  }
0x21: {  	s3 =	sadd.s32 s3, s9;
	s6 =	sadd.s32 @!p0 $0x88, s6;
	s7 =	simm.s32 @p2 $0x1082  }
0x22: {  	[simem:s7], [sflag:s8] =	dma.local @!p0 [hbm:s6], $0xF7A  }
0x23: {  	s9 =	sor.u32 $0xD0000000, s2;
	s6 =	simm.s32 $0x108;
	_ =	swait.ge @!p0 [sflag:s8], $0x0  }
0x24: {  	s3 =	sadd.s32 $0x88, s3;
	s6 =	simm.s32 @!p1 $0x1082;
	[sflag:s4] =	ssyncset.s32 $0xFFFFF086  }
0x25: {  	[simem:s6], [sflag:s4] =	dma.local [hbm:s3], $0xF7A  }
0x26: {  	[smem:$0x3F9F] =	sst s1;
	(tag) =	ssettag s2;
	_ =	strace s9  }
0x27: {  	s1 =	sld [smem:$0x3FAF]  }
0x28: {  	s2 =	sld [smem:$0x3FB0]  }
0x29: {  	s4 =	sld [smem:$0x3FB2]  }
0x2a: {  	p0 =	seq.s32 s5, $0x0;
	s5 =	sld [smem:$0x3FB3]  }
0x2b: {  	s6 =	sld [smem:$0x3FB4]  }
0x2c: {  	s7 =	sld [smem:$0x3FB5]  }
0x2d: {  	s3 =	simm.s32 $0x108;
	s8 =	sld [smem:$0x3FB6]  }
0x2e: {  	s3 =	simm.s32 @!p0 $0x1082;
	s9 =	sld [smem:$0x3FB7]  }
0x2f: {  	lr =	sadd.s32 s0, s3;
	s0 =	sld [smem:$0x3FAE]  }
0x30: {  	s3 =	sld [smem:$0x3FB1]  }
0x31: {  	[smem:$0x3FBA] =	sst s10  }
0x32: {  	s10 =	sld [smem:$0x3FB8];
	_ =	sdelay $0x3  }
0x33: {  	p0 =	seq.s32 s10, $0x1;
	s10 =	sld [smem:$0x3FBA];
	_ =	sdelay $0x3  }
0x34: {  	[smem:$0x3FBA] =	sst s10  }
0x35: {  	s10 =	sld [smem:$0x3FB9];
	_ =	sdelay $0x3  }
0x36: {  	p1 =	seq.s32 s10, $0x1;
	s10 =	sld [smem:$0x3FBA];
	_ =	sdelay $0x3  }
0x37: {  	[smem:$0x3FBA] =	sst s10  }
0x38: {  	s10 =	sld [smem:$0x3FBB]  }
0x39: {  	_ = 	snop;
	(pc) =	sbr.ind lr, $3  }
0x3a: {  	_ = 	snop  }
0x3b: {  	_ = 	snop  }
0x3c: {  	p2 =	seq.s32 s10, $0x1;
	s10 =	sld [smem:$0x3FBA]  }
0x3d: {  	_ =	shalt  }
0x3e: {  	_ =	shalt  }
0x3f: {  	_ =	shalt  }
0x40: {  	_ =	shalt  }
0x41: {  	_ =	shalt  }
0x42: {  	_ =	shalt  }
0x43: {  	_ =	shalt  }
0x44: {  	_ =	shalt  }
0x45: {  	_ =	shalt  }
0x46: {  	_ =	shalt  }
0x47: {  	_ =	shalt  }
0x48: {  	_ =	shalt  }
0x49: {  	_ =	shalt  }
0x4a: {  	_ =	shalt  }
0x4b: {  	_ =	shalt  }
0x4c: {  	_ =	shalt  }
0x4d: {  	_ =	shalt  }
0x4e: {  	_ =	shalt  }
0x4f: {  	_ =	shalt  }
0x50: {  	_ =	shalt  }
0x51: {  	_ =	shalt  }
0x52: {  	_ =	shalt  }
0x53: {  	_ =	shalt  }
0x54: {  	_ =	shalt  }
0x55: {  	_ =	shalt  }
0x56: {  	_ =	shalt  }
0x57: {  	_ =	shalt  }
0x58: {  	_ =	shalt  }
0x59: {  	_ =	shalt  }
0x5a: {  	_ =	shalt  }
0x5b: {  	_ =	shalt  }
0x5c: {  	_ =	shalt  }
0x5d: {  	_ =	shalt  }
0x5e: {  	_ =	shalt  }
0x5f: {  	_ =	shalt  }
0x60: {  	_ =	shalt  }
0x61: {  	_ =	shalt  }
0x62: {  	_ =	shalt  }
0x63: {  	_ =	shalt  }
0x64: {  	_ =	shalt  }
0x65: {  	_ =	shalt  }
0x66: {  	_ =	shalt  }
0x67: {  	_ =	shalt  }
0x68: {  	_ =	shalt  }
0x69: {  	_ =	shalt  }
0x6a: {  	_ =	shalt  }
0x6b: {  	_ =	shalt  }
0x6c: {  	_ =	shalt  }
0x6d: {  	_ =	shalt  }
0x6e: {  	_ =	shalt  }
0x6f: {  	_ =	shalt  }
0x70: {  	_ =	shalt  }
0x71: {  	_ =	shalt  }
0x72: {  	_ =	shalt  }
0x73: {  	_ =	shalt  }
0x74: {  	_ =	shalt  }
0x75: {  	_ =	shalt  }
0x76: {  	_ =	shalt  }
0x77: {  	_ =	shalt  }
0x78: {  	_ =	shalt  }
0x79: {  	_ =	shalt  }
0x7a: {  	_ =	shalt  }
0x7b: {  	_ =	shalt  }
0x7c: {  	_ =	shalt  }
0x7d: {  	_ =	shalt  }
0x7e: {  	_ =	shalt  }
0x7f: {  	_ =	shalt  }
0x80: {  	_ =	shalt  }
0x81: {  	_ =	shalt  }
0x82: {  	_ =	shalt  }
0x83: {  	_ =	shalt  }
0x84: {  	_ =	shalt  }
0x85: {  	_ =	shalt  }
0x86: {  	_ =	shalt  }
0x87: {  	_ =	shalt  }
.Lfunc_end0:
.L_simem_size_0:
called_computation_lowered:
.L_overlay_start_0:
0x88: {  	s2 =	sld [smem:$0x3FD9]  }
0x89: {  	s3 =	sld [smem:$0x3FFE];
	_ =	sdelay $0x1  }
0x8a: {  	s1 =	srdreg.scid  }
0x8b: {  	s0 =	sand.u32 $0x1, s1  }
0x8c: {  	s17 =	sshll.u32 s0, $0xA;
	s2 =	sadd.s32 s3, s2  }
0x8d: {  	s2 =	sadd.s32 s2, s17  }
0x8e: {  	[smem:$0x3FC6] =	sst s2  }
0x8f: {  	_ = 	snop  }
0x90: {  	s2 =	sld [smem:$0x3FC8]  }
0x91: {  	s18 =	sld [smem:$0x3FD0];
	(tm) =	ssettm $0x1  }
0x92: {  	s4 =	sld [smem:$0x3FFB];
	_ =	sdelay $0x3  }
0x93: {  	_ =	strace s4  }
0x94: {  	s4 =	sld [smem:$0x3FFC];
	_ =	sdelay $0x3  }
0x95: {  	_ =	strace s4  }
0x96: {  	s4 =	sld [smem:$0x3FFD];
	_ =	sdelay $0x3  }
0x97: {  	_ =	strace s4  }
0x98: {  	_ =	strace $0x8FFFFFFF  }
0x99: {  	s19 =	sld [smem:$0x3FDB];
	_ =	sdelay $0x1  }
0x9a: {  	s5 =	simm.s32 $_scs_section_size  }
0x9b: {  	s6 =	simm.s32 $_size__tile_overlayer_lowered;
	s7 =	simm.s32 $_tile_overlayer_lowered  }
0x9c: {  	s22 =	simm.s32 $0x1BFF;
	s21 =	sshll.u32 s7, $0x1;
	s4 =	sadd.s32 s5, s19  }
0x9d: {  	s8 =	simm.s32 $0x0;
	s20 =	sshll.u32 s6, $0x1;
	s6 =	sadd.s32 s21, s4  }
0x9e: {  	[timem:s8], [sflag:s22] =	dma.local [hbm:s6], s20  }
0x9f: {  	_ =	swait.ge [sflag:s22], s20  }
0xa0: {  	s5 =	ssub.s32 $0x0, s20;
	[sflag:s22] =	ssyncset.done $0x0  }
0xa1: {  	[sflag:s22] =	ssyncadd.s32 s5;
	_ =	sdelay $0x1  }
0xa2: {  	s23 =	simm.s32 $0x1B8B  }
0xa3: {  	_ =	swait.ge [sflag:s23], $0x1  }
0xa4: {  	[sflag:s23] =	ssyncset.done $0x0  }
0xa5: {  	s25 =	simm.s32 $0x1B8E;
	s24 =	sld [smem:$0x3FFE];
	[sflag:s23] =	ssyncadd.s32 $0xFFFFFFFF  }
0xa6: {  	s26 =	simm.s32 $execute0_lowered;
	[smem:$0x3FD2] =	sst s25  }
0xa7: {  	s6 =	sshll.u32 s26, $0x1;
	_ =	strace $0x80000046;
	[dreg:$0x1] =	wrdreg $0xFFFFFFFF  }
0xa8: {  	s28 =	simm.s32 $_size_execute0_lowered;
	s4 =	sadd.s32 s4, s6;
	[dreg:$0x0] =	wrdreg $0x0  }
0xa9: {  	s6 =	sshll.u32 s28, $0x1;
	[dreg:$0x2] =	wrdreg s4  }
0xaa: {  	[dreg:$0x3] =	wrdreg s6  }
0xab: {  	[dreg:$0x4] =	wrdreg $0xC0  }
0xac: {  	_ =	task [dreg:s8], $0x5FFFF  }
0xad: {  	[dreg:$0x1] =	wrdreg $0xFFFFFFFF  }
0xae: {  	[dreg:$0x0] =	wrdreg $0x60  }
0xaf: {  	[dreg:$0x2] =	wrdreg s24  }
0xb0: {  	[dreg:$0x3] =	wrdreg s2  }
0xb1: {  	[dreg:$0x4] =	wrdreg s18  }
0xb2: {  	[dreg:$0x5] =	wrdreg $0x9  }
0xb3: {  	_ =	task.clear_ibuf [dreg:s8], $0x6FFFF;
	_ =	strace $0x90000046  }
0xb4: {  	s29 =	simm.s32 $0x9;
	_ =	strace $0x80000048  }
0xb5: {  	_ =	swait.ge [sflag:s29], $0x1  }
0xb6: {  	[sflag:s29] =	ssyncadd.s32 $0xFFFFFFFF  }
0xb7: {  	_ =	strace $0x90000048  }
0xb8: {  	_ =	sfence  }
0xb9: {  	s30 =	sld [smem:$0x0];
	_ =	sdelay $0x2  }
0xba: {  	s31 =	sshll.u32 s1, $0xD;
	s1 =	sshrl.u32 s1, $0x2  }
0xbb: {  	s3 =	sand.u32 $0x4000, s31;
	s1 =	sadd.s32 s1, s30  }
0xbc: {  	s0 =	sor.u32 s3, s0;
	s1 =	sshll.u32 s1, $0x11  }
0xbd: {  	s0 =	sor.u32 s1, s0  }
0xbe: {  	s0 =	sadd.s32 $0x8F2B, s0  }
0xbf: {  	[sflag:s0] =	ssyncadd.remote.s32 $0x1  }
0xc0: {  	_ =	sfence.sel $0xFFFF  }
0xc1: {  	[dreg:$0x0] =	wrdreg $0xFFFFFFFF;
	(pc) =	sbr.abs _section_cstart, $3  }
0xc2: {  	[dreg:$0x1] =	wrdreg $0xFFFFFFFF  }
0xc3: {  	_ =	task.clear_ibuf [dreg:s8], $0x2FFFF;
	_ =	strace $0x9FFFFFFF  }
0xc4: {  	(tm) =	ssettm $0x7FFFFFFF  }
0xc5: {  	_ =	shalt  }
tec
execute0_lowered:
.L_overlay_start_1:
0x0: {  	(tag) =	ssettag $0x1  }
0x1: {  	s5 =	rddreg [dreg:$0x0]  }
0x2: {  	s1 =	rddreg [dreg:$0x1]  }
0x3: {  	s3 =	rddreg [dreg:$0x2]  }
0x4: {  	s0 =	rddreg [dreg:$0x3];
	s6 =	srdreg.scid  }
0x5: {  	s4 =	simm.s32 $0x0;
	s2 =	stileid.u32;
	s10 =	simm.s32 $0x2  }
0x6: {  	s11 =	simm.s32 $0x1;
	s12 =	simm.s32 $0x0;
	s6 =	sand.u32 $0x1, s6  }
0x7: {  	[smem:$0x7FF] =	sst s4;
	s8 =	sshll.u32 s2, $0x1;
	s7 =	ssub.s32 $0x2, s6  }
0x8: {  	s5 =	sadd.s32 $0x600, s5;
	_ =	strace $0x80000047;
	s9 =	sshrl.u32 s7, $0x1  }
0x9: {  	s6 =	sor.u32 s6, s8;
	s8 =	simm.s32 $0x400;
	s7 =	ssub.s32 s7, s9  }
0xa: {  	s6 =	smul.u32 $0x190, s6;
	s9 =	simm.s32 $0x1000;
	s7 =	smax.u32 s7, $0x1  }
.LBB2_1:
0xb: {  	[tilespmem:s9], [sflag:$0x2] =	stream.strided.gather [hbm4b:s1+s8], $0x2000, s9, s8, $0x38;
	[tilespmem:$0x1B000] =	vst v63  }
0xc: {  	_ =	swait.ge [sflag:s10], $0x2000  }
0xd: {  	[sflag:s10] =	ssyncset.done $0x0  }
0xe: {  	s13 =	simm.s32 $0x0;
	[sflag:s10] =	ssyncadd.s32 $0xFFFFE000  }
.LBB2_2:
0xf: {  	s14 =	sshll.u32 s13, $0x3  }
0x10: {  	s14 =	sadd.s32 s6, s14  }
0x11: {  	p0 =	seq.s32 s13, $0x0;
	s15 =	sand.u32 $0x38, s14  }
0x12: {  	p1 =	sne.s32 @!p0 s15, $0x0  }
0x13: {  	s14 =	sshrl.u32 s14, $0x6;
	p0 =	por p0, !p1  }
0x14: {  	s16 =	sshll.u32 @p0 s14, $0x9  }
0x15: {  	s16 =	sand.u32 @p0 $0x1FFFFE00, s16  }
0x16: {  	s16 =	sadd.s32 @p0 s5, s16  }
0x17: {  	[tilespmem:s4], [sflag:$0x2] =	stream.linear.gather @p0 [hbm4b:s16+s4], $0x1000, $0x38;
	[tilespmem:$0x1B000] =	vst v63  }
0x18: {  	_ =	swait.ge @p0 [sflag:s10], $0x1000  }
0x19: {  	[sflag:s10] =	ssyncset.done @p0 $0x0  }
0x1a: {  	s17 =	simm.s32 $0x0;
	[sflag:s10] =	ssyncadd.s32 @p0 $0xFFFFF000  }
0x1b: {  	v0 =	vld [tilespmem:s17+$0x0];
	_ =	sdelay $0x2  }
0x1c: {  	s31 =	smul.u32 $0xAB, s13;
	_ =	sdelay $0x1  }
0x1d: {  	s15 =	sshll.u32 s15, $0x9;
	s16 =	sshrl.u32 s31, $0x9  }
0x1e: {  	s25 =	sshrl.u32 s15, $0x2;
	s16 =	sand.u32 $0x7F, s16  }
0x1f: {  	s18 =	sadd.s32 $0x1000, s25;
	s16 =	smul.u32 $0x3, s16  }
0x20: {  	s19 =	sadd.s32 $0x1080, s25;
	v1 =	vld.idx.msk [tilespmem:v0+s18+$0x0], $0xffff  }
0x21: {  	s20 =	sadd.s32 $0x1100, s25;
	s16 =	ssub.s32 s13, s16;
	v2 =	vld.idx.msk [tilespmem:v0+s19+$0x0], $0xffff  }
0x22: {  	s21 =	sadd.s32 $0x1180, s25;
	s16 =	sand.u32 $0xFF, s16;
	v3 =	vld.idx.msk [tilespmem:v0+s20+$0x0], $0xffff  }
0x23: {  	s22 =	sadd.s32 $0x1200, s25;
	s16 =	sshll.u32 s16, $0xF;
	v4 =	vld.idx.msk [tilespmem:v0+s21+$0x0], $0xffff  }
0x24: {  	s26 =	sand.u32 $0x7C00, s17;
	s23 =	sadd.s32 $0x1280, s25;
	s16 =	sor.u32 $0x3000, s16;
	v5 =	vld.idx.msk [tilespmem:v0+s22+$0x0], $0xffff  }
0x25: {  	s28 =	sand.u32 $0x70, s17;
	s24 =	sadd.s32 $0x1300, s25;
	s26 =	sadd.s32 s26, s16;
	v6 =	vld.idx.msk [tilespmem:v0+s23+$0x0], $0xffff  }
0x26: {  	s25 =	sadd.s32 $0x1380, s25;
	s28 =	sadd.s32 s28, s26;
	v7 =	vld.idx.msk [tilespmem:v0+s24+$0x0], $0xffff  }
0x27: {  	v0 =	vld.idx.msk [tilespmem:v0+s25+$0x0], $0xffff;
	[tilespmem:s28+$0x0] =	vst v1  }
0x28: {  	[tilespmem:s28+$0x80] =	vst v2  }
0x29: {  	[tilespmem:s28+$0x100] =	vst v3  }
0x2a: {  	[tilespmem:s28+$0x180] =	vst v4  }
0x2b: {  	[tilespmem:s28+$0x200] =	vst v5  }
0x2c: {  	[tilespmem:s28+$0x280] =	vst v6  }
0x2d: {  	[tilespmem:s28+$0x300] =	vst v7  }
0x2e: {  	s26 =	simm.s32 $0x10;
	[tilespmem:s28+$0x380] =	vst v0  }
0x2f: {  	v0 =	vld [tilespmem:s26+$0x0]  }
0x30: {  	s29 =	simm.s32 $0x10;
	s28 =	simm.s32 $0x20  }
.LBB2_3:
0x31: {  	p0 =	sne.s32 s28, $0xFF0;
	_ =	sdelay $0x5  }
0x32: {  	v1 =	vld.idx.msk [tilespmem:v0+s18+$0x0], $0xffff  }
0x33: {  	v2 =	vld.idx.msk [tilespmem:v0+s19+$0x0], $0xffff  }
0x34: {  	v3 =	vld.idx.msk [tilespmem:v0+s20+$0x0], $0xffff  }
0x35: {  	s17 =	sadd.s32 $0x80, s17;
	v4 =	vld.idx.msk [tilespmem:v0+s21+$0x0], $0xffff  }
0x36: {  	s30 =	sand.u32 $0x7C00, s17;
	v5 =	vld.idx.msk [tilespmem:v0+s22+$0x0], $0xffff  }
0x37: {  	s31 =	sand.u32 $0x70, s26;
	s26 =	smov.u32 s28;
	s30 =	sadd.s32 s30, s16;
	v6 =	vld.idx.msk [tilespmem:v0+s23+$0x0], $0xffff  }
0x38: {  	s30 =	sadd.s32 s31, s30;
	v7 =	vld.idx.msk [tilespmem:v0+s24+$0x0], $0xffff  }
0x39: {  	v0 =	vld.idx.msk [tilespmem:v0+s25+$0x0], $0xffff;
	[tilespmem:s30+$0x0] =	vst v1  }
0x3a: {  	[tilespmem:s30+$0x80] =	vst v2  }
0x3b: {  	[tilespmem:s30+$0x100] =	vst v3  }
0x3c: {  	[tilespmem:s30+$0x180] =	vst v4  }
0x3d: {  	[tilespmem:s30+$0x200] =	vst v5  }
.Ltmp0:
0x3e: {  	[tilespmem:s30+$0x280] =	vst v6;
	(pc) =	sbr.rel @p0 .LBB2_3-.Ltmp0, $4  }
0x3f: {  	[tilespmem:s30+$0x300] =	vst v7  }
0x40: {  	s29 =	sadd.s32 $0x10, s29;
	[tilespmem:s30+$0x380] =	vst v0  }
0x41: {  	v0 =	vld [tilespmem:s29+$0x0]  }
0x42: {  	s28 =	sadd.s32 $0x10, s28  }
0x43: {  	_ =	sdelay $0x6  }
0x44: {  	v1 =	vld.idx.msk [tilespmem:v0+s18+$0x0], $0xffff  }
0x45: {  	v2 =	vld.idx.msk [tilespmem:v0+s19+$0x0], $0xffff  }
0x46: {  	v3 =	vld.idx.msk [tilespmem:v0+s20+$0x0], $0xffff  }
0x47: {  	s17 =	sadd.s32 $0x80, s17;
	v4 =	vld.idx.msk [tilespmem:v0+s21+$0x0], $0xffff  }
0x48: {  	s17 =	sand.u32 $0x7C00, s17;
	v5 =	vld.idx.msk [tilespmem:v0+s22+$0x0], $0xffff  }
0x49: {  	s31 =	sand.u32 $0x70, s26;
	s17 =	sadd.s32 s17, s16;
	v6 =	vld.idx.msk [tilespmem:v0+s23+$0x0], $0xffff  }
0x4a: {  	v7 =	vld.idx.msk [tilespmem:v0+s24+$0x0], $0xffff;
	s17 =	sadd.s32 s31, s17  }
0x4b: {  	v63 =	vld.idx.msk [tilespmem:v0+s25+$0x0], $0xffff;
	[tilespmem:s17+$0x0] =	vst v1  }
0x4c: {  	[tilespmem:s17+$0x80] =	vst v2  }
0x4d: {  	[tilespmem:s17+$0x100] =	vst v3  }
0x4e: {  	[tilespmem:s17+$0x180] =	vst v4  }
0x4f: {  	[tilespmem:s17+$0x200] =	vst v5  }
0x50: {  	[tilespmem:s17+$0x280] =	vst v6  }
0x51: {  	p0 =	slt.u32 s13, $0x3;
	[tilespmem:s17+$0x300] =	vst v7  }
0x52: {  	[tilespmem:s17+$0x380] =	vst v63;
	s17 =	simm.s32 @!p0 $0x1  }
0x53: {  	_ =	swait.ge @!p0 [sflag:s17], $0x8000  }
0x54: {  	s13 =	sadd.s32 $0x1, s13;
	[sflag:s17] =	ssyncset.done @!p0 $0x0  }
0x55: {  	[sflag:s17] =	ssyncadd.s32 @!p0 $0xFFFF8000;
	p0 =	sne.s32 s13, $0x32  }
.Ltmp1:
0x56: {  	_ = 	snop;
	(pc) =	sbr.rel @p0 .LBB2_2-.Ltmp1, $4  }
0x57: {  	_ = 	snop  }
0x58: {  	s14 =	sshll.u32 s14, $0xF;
	s15 =	sadd.s32 s3, s15  }
0x59: {  	s14 =	sadd.s32 s14, s15  }
0x5a: {  	[hbm4b:s14+s4] =	stream.linear.scatter [tilespmem:s16], [sflag:$0x1], $0x8000, $0x38;
	[tilespmem:$0x1B000] =	vst v63  }
0x5b: {  	_ =	swait.ge [sflag:s11], $0x8000  }
0x5c: {  	[sflag:s11] =	ssyncset.done $0x0  }
0x5d: {  	s12 =	sadd.s32 $0x1, s12;
	[sflag:s11] =	ssyncadd.s32 $0xFFFF8000  }
0x5e: {  	p0 =	sne.s32 s12, s7;
	_ =	swait.ge [sflag:s11], $0x8000  }
.Ltmp2:
0x5f: {  	[sflag:s11] =	ssyncset.done $0x0;
	(pc) =	sbr.rel @p0 .LBB2_1-.Ltmp2, $4  }
0x60: {  	[sflag:s11] =	ssyncadd.s32 $0xFFFF8000  }
0x61: {  	_ =	swait.ge [sflag:s11], $0x8000  }
0x62: {  	[sflag:s11] =	ssyncset.done $0x0  }
0x63: {  	[sflag:s11] =	ssyncadd.s32 $0xFFFF8000  }
0x64: {  	_ =	sfence.sel $0x180000  }
0x65: {  	[bflag:$0x0] =	sbarrier.arrive $0xFFFF  }
0x66: {  	p0 =	sne.s32 s2, $0x0;
	_ =	strace $0x90000047  }
0x67: {  	s0 =	sadd.s32 @!p0 $0x100000, s0;
	[bflag:$0x2] =	sbarrier.arrive $0xFFFF  }
0x68: {  	[sflag:s0] =	ssyncadd.tile.s32 @!p0 $0x1;
	_ =	shalt  }
.Lfunc_end2:
_tile_overlayer_lowered:
.L_overlay_start_2:
0x69: {  	(tag) =	ssettag $0x2  }
0x6a: {  	s0 =	rddreg [dreg:$0x0];
	s2 =	stileid.u32  }
0x6b: {  	s1 =	rddreg [dreg:$0x1];
	p0 =	sne.s32 s2, $0x0  }
0x6c: {  	s3 =	rddreg [dreg:$0x2];
	[bflag:$0x3] =	sbarrier.arrive $0xFFFF;
	s2 =	simm.s32 @!p0 $0x1C02  }
0x6d: {  	[timem:s3], [sflag:s2] =	dma.local @!p0 [hbm:s0], s1  }
0x6e: {  	s0 =	simm.s32 @!p0 $0x2  }
0x6f: {  	_ =	swait.ge @!p0 [sflag:s0], s1  }
0x70: {  	s1 =	ssub.s32 @!p0 $0x0, s1;
	[sflag:s0] =	ssyncset.done @!p0 $0x0  }
0x71: {  	[sflag:s0] =	ssyncadd.s32 @!p0 s1  }
0x72: {  	[bflag:$0x3] =	sbarrier.arrive $0xFFFF  }
0x73: {  	_ =	shalt  }

</sc_bundles>
